<compile_context>
chip_gen: v7x
topology: tpu7x:2x2x1
jax: 0.10.2.dev20260603
libtpu: 0.0.44.dev20260713+nightly
codegen_flags: <defaults>
</compile_context>

<pallas_src>
import functools

import jax
import jax.numpy as jnp
from jax import lax
from jax.experimental import pallas as pl
from jax.experimental.pallas import tpu as pltpu
from jax.experimental.pallas import tpu_sc as plsc

_LANES = 16
_NB = 2
_NUM_CORES = 1


@functools.lru_cache(maxsize=None)
def _build(n, num_types):
    info = plsc.get_sparse_core_info()
    nc, ns = _NUM_CORES, info.num_subcores
    nw = nc * ns
    quant = _LANES * _NB
    chunk = -(-n // (quant * nw)) * quant
    sub = chunk // _NB
    n_vec = sub // _LANES
    assert n % 8 == 0 and n >= chunk

    mesh = plsc.VectorSubcoreMesh(
        core_axis_name="c", subcore_axis_name="s", num_cores=nc)

    @functools.partial(
        pl.kernel,
        mesh=mesh,
        out_type=jax.ShapeDtypeStruct((n,), jnp.float32),
        compiler_params=pltpu.CompilerParams(
            needs_layout_passes=False, skip_device_barrier=True),
        scratch_types=[
            pltpu.VMEM((sub,), jnp.int32),
            pltpu.VMEM((sub,), jnp.int32),
            pltpu.VMEM((sub,), jnp.float32),
            pltpu.VMEM((sub,), jnp.float32),
            pltpu.VMEM((sub,), jnp.float32),
            pltpu.VMEM((sub,), jnp.float32),
            pltpu.VMEM((num_types,), jnp.float32),
            pltpu.VMEM((num_types,), jnp.float32),
            pltpu.SemaphoreType.DMA,
            pltpu.SemaphoreType.DMA,
            pltpu.SemaphoreType.DMA,
            pltpu.SemaphoreType.DMA,
            pltpu.SemaphoreType.DMA,
        ],
    )
    def scale_shift(energy_hbm, types_hbm, scales_hbm, shifts_hbm, out_hbm,
                    idx0, idx1, e0, e1, o0, o1, sc_v, sh_v,
                    sem_t, sem_i0, sem_i1, sem_o0, sem_o1):
        wid = lax.axis_index("s") * nc + lax.axis_index("c")
        base = jnp.minimum(wid * chunk, n - chunk)
        idx_v = (idx0, idx1)
        e_v = (e0, e1)
        o_v = (o0, o1)
        sem_i = (sem_i0, sem_i1)
        sem_o = (sem_o0, sem_o1)

        def in_copies(s):
            b = s % 2
            return (
                pltpu.make_async_copy(
                    types_hbm.at[pl.ds(base + s * sub, sub)], idx_v[b], sem_i[b]),
                pltpu.make_async_copy(
                    energy_hbm.at[pl.ds(base + s * sub, sub)], e_v[b], sem_i[b]),
            )

        tbl = (pltpu.make_async_copy(scales_hbm, sc_v, sem_t),
               pltpu.make_async_copy(shifts_hbm, sh_v, sem_t))
        for cp in tbl:
            cp.start()
        pend_in = {}
        for s in range(min(2, _NB)):
            pend_in[s] = in_copies(s)
            for cp in pend_in[s]:
                cp.start()
        for cp in tbl:
            cp.wait()

        pend_out = {}
        for s in range(_NB):
            b = s % 2
            for cp in pend_in.pop(s):
                cp.wait()
            if s >= 2:
                pend_out.pop(s - 2).wait()

            @plsc.parallel_loop(0, n_vec, unroll=7)
            def _vec(j, _b=b):
                off = j * _LANES
                idx16 = idx_v[_b][pl.ds(off, _LANES)]
                e16 = e_v[_b][pl.ds(off, _LANES)]
                sc16 = plsc.load_gather(sc_v, [idx16])
                sh16 = plsc.load_gather(sh_v, [idx16])
                o_v[_b][pl.ds(off, _LANES)] = sh16 + sc16 * e16

            co = pltpu.make_async_copy(
                o_v[b], out_hbm.at[pl.ds(base + s * sub, sub)], sem_o[b])
            co.start()
            pend_out[s] = co
            if s + 2 < _NB:
                pend_in[s + 2] = in_copies(s + 2)
                for cp in pend_in[s + 2]:
                    cp.start()
        for s in sorted(pend_out):
            pend_out[s].wait()

    return scale_shift


def kernel(atomic_energy, atom_types, scales, shifts):
    n = atom_types.shape[0]
    num_types = scales.shape[0]
    energy = atomic_energy.reshape(n).astype(jnp.float32)
    types = atom_types.astype(jnp.int32)
    out = _build(n, num_types)(energy, types, scales, shifts)
    return out.reshape(n, 1)

# --- scband reference (transcript-rebuilt; emitter-appended) ---
"""Pipeline reference for scband-per-species-scale-shift-33663953666939 (READ-ONLY COPY).

The authoritative reference and input builder live on the scoring server;
editing this copy changes nothing except your own understanding.
"""

import jax, jax.numpy as jnp
import numpy as np

N_ATOMS = 100000
NUM_TYPES = 64

def setup_inputs(seed: int = 0) -> dict:
    key = jax.random.key(seed)
    k1, k2, k3, k4 = jax.random.split(key, 4)
    atomic_energy = jax.random.normal(k1, (N_ATOMS, 1), dtype=jnp.float32)
    atom_types = jax.random.randint(k2, (N_ATOMS,), 0, NUM_TYPES, dtype=jnp.int64 if jax.config.jax_enable_x64 else jnp.int32)
    # learned per-species parameters (scales init ~1, shifts init ~0.5 per torch init, but
    # treated as trainable so we use randomized values around the init)
    scales = 1.0 + 0.1 * jax.random.normal(k3, (NUM_TYPES,), dtype=jnp.float32)
    shifts = 0.5 + 0.1 * jax.random.normal(k4, (NUM_TYPES,), dtype=jnp.float32)
    return {"atomic_energy": atomic_energy, "atom_types": atom_types, "scales": scales, "shifts": shifts}

def reference(atomic_energy, atom_types, scales, shifts):
    # species_idx = data[ATOM_TYPE_KEY].squeeze(-1)
    species_idx = atom_types
    # torch.addcmul(shift_gathered, scale_gathered, in_field):
    #   out = shifts[idx].view(-1,1) + scales[idx].view(-1,1) * in_field
    shift_g = jnp.take(shifts, species_idx, axis=0).reshape(-1, 1)
    scale_g = jnp.take(scales, species_idx, axis=0).reshape(-1, 1)
    out = shift_g + scale_g * atomic_energy
    return out

if __name__ == "__main__":
    import jax
    _d = setup_inputs()
    print(jax.jit(kernel)(*tuple(_d.values())))

</pallas_src>

<mosaic_0001>
#map = affine_map<(d0, d1) -> (0)>
module attributes {stable_mosaic.version = 14 : i64} {
  func.func @scale_shift(%arg0: i32, %arg1: i32, %arg2: memref<100000xf32, #tpu.memory_space<hbm>>, %arg3: memref<100000xi32, #tpu.memory_space<hbm>>, %arg4: memref<64xf32, #tpu.memory_space<hbm>>, %arg5: memref<64xf32, #tpu.memory_space<hbm>>, %arg6: memref<100000xf32, #tpu.memory_space<hbm>>, %arg7: memref<3136xi32, #tpu.memory_space<vmem>>, %arg8: memref<3136xi32, #tpu.memory_space<vmem>>, %arg9: memref<3136xf32, #tpu.memory_space<vmem>>, %arg10: memref<3136xf32, #tpu.memory_space<vmem>>, %arg11: memref<3136xf32, #tpu.memory_space<vmem>>, %arg12: memref<3136xf32, #tpu.memory_space<vmem>>, %arg13: memref<64xf32, #tpu.memory_space<vmem>>, %arg14: memref<64xf32, #tpu.memory_space<vmem>>, %arg15: memref<!tpu.dma_semaphore, #tpu.memory_space<semaphore_mem>>, %arg16: memref<!tpu.dma_semaphore, #tpu.memory_space<semaphore_mem>>, %arg17: memref<!tpu.dma_semaphore, #tpu.memory_space<semaphore_mem>>, %arg18: memref<!tpu.dma_semaphore, #tpu.memory_space<semaphore_mem>>, %arg19: memref<!tpu.dma_semaphore, #tpu.memory_space<semaphore_mem>>) attributes {dimension_semantics = [#tpu.dimension_semantics<core_parallel>, #tpu.dimension_semantics<subcore_parallel>], iteration_bounds = array<i64: 1, 16>, scalar_prefetch = 0 : i64, scratch_operands = 13 : i64, tpu.core_type = #tpu.core_type<sc_vector_subcore>, window_params = [{transform_indices = #map}, {transform_indices = #map}, {transform_indices = #map}, {transform_indices = #map}, {transform_indices = #map}]} {
    %mul3A = arith.constant 1 : i32
    %mul3A_0 = arith.muli %arg1, %mul3A : i32
    %add3A = arith.addi %mul3A_0, %arg0 : i32
    %mul3A_1 = arith.constant 6272 : i32
    %mul3A_2 = arith.muli %add3A, %mul3A_1 : i32
    %min3A = arith.constant 93728 : i32
    %min3A_3 = arith.minsi %mul3A_2, %min3A : i32
    tpu.enqueue_dma source(%arg4 : memref<64xf32, #tpu.memory_space<hbm>>) target(%arg13 : memref<64xf32, #tpu.memory_space<vmem>>) target_semaphore(%arg15 : memref<!tpu.dma_semaphore, #tpu.memory_space<semaphore_mem>>)
    tpu.enqueue_dma source(%arg5 : memref<64xf32, #tpu.memory_space<hbm>>) target(%arg14 : memref<64xf32, #tpu.memory_space<vmem>>) target_semaphore(%arg15 : memref<!tpu.dma_semaphore, #tpu.memory_space<semaphore_mem>>)
    %add3A_4 = arith.constant 0 : i32
    %add3A_5 = arith.addi %min3A_3, %add3A_4 : i32
    %add3A_6 = arith.constant 0 : i32
    %add3A_7 = arith.addi %min3A_3, %add3A_6 : i32
    %dma_start3A = tpu.memref_slice %arg3[%add3A_5] : memref<100000xi32, #tpu.memory_space<hbm>> -> memref<3136xi32, #tpu.memory_space<hbm>>
    %dma_start3A_8 = tpu.memref_slice %arg3[%add3A_5] : memref<100000xi32, #tpu.memory_space<hbm>> -> memref<3136xi32, #tpu.memory_space<hbm>>
    tpu.enqueue_dma source(%dma_start3A_8 : memref<3136xi32, #tpu.memory_space<hbm>>) target(%arg7 : memref<3136xi32, #tpu.memory_space<vmem>>) target_semaphore(%arg16 : memref<!tpu.dma_semaphore, #tpu.memory_space<semaphore_mem>>)
    %dma_start3A_9 = tpu.memref_slice %arg2[%add3A_7] : memref<100000xf32, #tpu.memory_space<hbm>> -> memref<3136xf32, #tpu.memory_space<hbm>>
    %dma_start3A_10 = tpu.memref_slice %arg2[%add3A_7] : memref<100000xf32, #tpu.memory_space<hbm>> -> memref<3136xf32, #tpu.memory_space<hbm>>
    tpu.enqueue_dma source(%dma_start3A_10 : memref<3136xf32, #tpu.memory_space<hbm>>) target(%arg9 : memref<3136xf32, #tpu.memory_space<vmem>>) target_semaphore(%arg16 : memref<!tpu.dma_semaphore, #tpu.memory_space<semaphore_mem>>)
    %add3A_11 = arith.constant 3136 : i32
    %add3A_12 = arith.addi %min3A_3, %add3A_11 : i32
    %add3A_13 = arith.constant 3136 : i32
    %add3A_14 = arith.addi %min3A_3, %add3A_13 : i32
    %dma_start3A_15 = tpu.memref_slice %arg3[%add3A_12] : memref<100000xi32, #tpu.memory_space<hbm>> -> memref<3136xi32, #tpu.memory_space<hbm>>
    %dma_start3A_16 = tpu.memref_slice %arg3[%add3A_12] : memref<100000xi32, #tpu.memory_space<hbm>> -> memref<3136xi32, #tpu.memory_space<hbm>>
    tpu.enqueue_dma source(%dma_start3A_16 : memref<3136xi32, #tpu.memory_space<hbm>>) target(%arg8 : memref<3136xi32, #tpu.memory_space<vmem>>) target_semaphore(%arg17 : memref<!tpu.dma_semaphore, #tpu.memory_space<semaphore_mem>>)
    %dma_start3A_17 = tpu.memref_slice %arg2[%add3A_14] : memref<100000xf32, #tpu.memory_space<hbm>> -> memref<3136xf32, #tpu.memory_space<hbm>>
    %dma_start3A_18 = tpu.memref_slice %arg2[%add3A_14] : memref<100000xf32, #tpu.memory_space<hbm>> -> memref<3136xf32, #tpu.memory_space<hbm>>
    tpu.enqueue_dma source(%dma_start3A_18 : memref<3136xf32, #tpu.memory_space<hbm>>) target(%arg10 : memref<3136xf32, #tpu.memory_space<vmem>>) target_semaphore(%arg17 : memref<!tpu.dma_semaphore, #tpu.memory_space<semaphore_mem>>)
    tpu.wait_dma2 semaphore(%arg15 : memref<!tpu.dma_semaphore, #tpu.memory_space<semaphore_mem>>) src(%arg4 : memref<64xf32, #tpu.memory_space<hbm>>) dst(%arg13 : memref<64xf32, #tpu.memory_space<vmem>>)
    tpu.wait_dma2 semaphore(%arg15 : memref<!tpu.dma_semaphore, #tpu.memory_space<semaphore_mem>>) src(%arg5 : memref<64xf32, #tpu.memory_space<hbm>>) dst(%arg14 : memref<64xf32, #tpu.memory_space<vmem>>)
    %dma_wait3A = tpu.memref_slice %arg3[%add3A_5] : memref<100000xi32, #tpu.memory_space<hbm>> -> memref<3136xi32, #tpu.memory_space<hbm>>
    %dma_wait3A_19 = tpu.memref_slice %arg3[%add3A_5] : memref<100000xi32, #tpu.memory_space<hbm>> -> memref<3136xi32, #tpu.memory_space<hbm>>
    tpu.wait_dma2 semaphore(%arg16 : memref<!tpu.dma_semaphore, #tpu.memory_space<semaphore_mem>>) src(%dma_wait3A_19 : memref<3136xi32, #tpu.memory_space<hbm>>) dst(%arg7 : memref<3136xi32, #tpu.memory_space<vmem>>)
    %dma_wait3A_20 = tpu.memref_slice %arg2[%add3A_7] : memref<100000xf32, #tpu.memory_space<hbm>> -> memref<3136xf32, #tpu.memory_space<hbm>>
    %dma_wait3A_21 = tpu.memref_slice %arg2[%add3A_7] : memref<100000xf32, #tpu.memory_space<hbm>> -> memref<3136xf32, #tpu.memory_space<hbm>>
    tpu.wait_dma2 semaphore(%arg16 : memref<!tpu.dma_semaphore, #tpu.memory_space<semaphore_mem>>) src(%dma_wait3A_21 : memref<3136xf32, #tpu.memory_space<hbm>>) dst(%arg9 : memref<3136xf32, #tpu.memory_space<vmem>>)
    %parallel_loop3A = arith.constant 0 : i32
    %parallel_loop3A_22 = arith.constant 196 : i32
    %parallel_loop3A_23 = arith.constant 1 : i32
    scf.for %parallel_loop3A_43 = %parallel_loop3A to %parallel_loop3A_22 step %parallel_loop3A_23  : i32 {
      %parallel_loop3A_44 = arith.constant 16 : i32
      %parallel_loop3A_45 = arith.muli %parallel_loop3A_43, %parallel_loop3A_44 : i32
      %parallel_loop3A_46 = arith.index_cast %parallel_loop3A_45 : i32 to index
      %parallel_loop3A_47 = tpu.vector_load %arg7[%parallel_loop3A_46] {strides = array<i32>} : memref<3136xi32, #tpu.memory_space<vmem>>, vector<16xi32>,
      %parallel_loop3A_48 = arith.index_cast %parallel_loop3A_45 : i32 to index
      %parallel_loop3A_49 = tpu.vector_load %arg9[%parallel_loop3A_48] {strides = array<i32>} : memref<3136xf32, #tpu.memory_space<vmem>>, vector<16xf32>,
      %parallel_loop3A_50 = tpu.vector_load_idx %arg13[%parallel_loop3A_47] : memref<64xf32, #tpu.memory_space<vmem>>[vector<16xi32>], vector<16xf32>,
      %parallel_loop3A_51 = tpu.vector_load_idx %arg14[%parallel_loop3A_47] : memref<64xf32, #tpu.memory_space<vmem>>[vector<16xi32>], vector<16xf32>,
      %parallel_loop3A_52 = arith.mulf %parallel_loop3A_50, %parallel_loop3A_49 : vector<16xf32>
      %parallel_loop3A_53 = arith.addf %parallel_loop3A_51, %parallel_loop3A_52 : vector<16xf32>
      %parallel_loop3A_54 = arith.index_cast %parallel_loop3A_45 : i32 to index
      %parallel_loop3A_55 = tpu.vector_load %arg11[%parallel_loop3A_54] {strides = array<i32>} : memref<3136xf32, #tpu.memory_space<vmem>>, vector<16xf32>,
      tpu.vector_store %arg11[%parallel_loop3A_54], %parallel_loop3A_53 {strides = array<i32>} : memref<3136xf32, #tpu.memory_space<vmem>>, vector<16xf32>,
    } {sc.loop_unroll_factor = 7 : i64, sc.parallel_access}
    %add3A_24 = arith.constant 0 : i32
    %add3A_25 = arith.addi %min3A_3, %add3A_24 : i32
    %dma_start3A_26 = tpu.memref_slice %arg6[%add3A_25] : memref<100000xf32, #tpu.memory_space<hbm>> -> memref<3136xf32, #tpu.memory_space<hbm>>
    %dma_start3A_27 = tpu.memref_slice %arg6[%add3A_25] : memref<100000xf32, #tpu.memory_space<hbm>> -> memref<3136xf32, #tpu.memory_space<hbm>>
    tpu.enqueue_dma source(%arg11 : memref<3136xf32, #tpu.memory_space<vmem>>) target(%dma_start3A_27 : memref<3136xf32, #tpu.memory_space<hbm>>) target_semaphore(%arg18 : memref<!tpu.dma_semaphore, #tpu.memory_space<semaphore_mem>>)
    %dma_wait3A_28 = tpu.memref_slice %arg3[%add3A_12] : memref<100000xi32, #tpu.memory_space<hbm>> -> memref<3136xi32, #tpu.memory_space<hbm>>
    %dma_wait3A_29 = tpu.memref_slice %arg3[%add3A_12] : memref<100000xi32, #tpu.memory_space<hbm>> -> memref<3136xi32, #tpu.memory_space<hbm>>
    tpu.wait_dma2 semaphore(%arg17 : memref<!tpu.dma_semaphore, #tpu.memory_space<semaphore_mem>>) src(%dma_wait3A_29 : memref<3136xi32, #tpu.memory_space<hbm>>) dst(%arg8 : memref<3136xi32, #tpu.memory_space<vmem>>)
    %dma_wait3A_30 = tpu.memref_slice %arg2[%add3A_14] : memref<100000xf32, #tpu.memory_space<hbm>> -> memref<3136xf32, #tpu.memory_space<hbm>>
    %dma_wait3A_31 = tpu.memref_slice %arg2[%add3A_14] : memref<100000xf32, #tpu.memory_space<hbm>> -> memref<3136xf32, #tpu.memory_space<hbm>>
    tpu.wait_dma2 semaphore(%arg17 : memref<!tpu.dma_semaphore, #tpu.memory_space<semaphore_mem>>) src(%dma_wait3A_31 : memref<3136xf32, #tpu.memory_space<hbm>>) dst(%arg10 : memref<3136xf32, #tpu.memory_space<vmem>>)
    %parallel_loop3A_32 = arith.constant 0 : i32
    %parallel_loop3A_33 = arith.constant 196 : i32
    %parallel_loop3A_34 = arith.constant 1 : i32
    scf.for %parallel_loop3A_43 = %parallel_loop3A_32 to %parallel_loop3A_33 step %parallel_loop3A_34  : i32 {
      %parallel_loop3A_44 = arith.constant 16 : i32
      %parallel_loop3A_45 = arith.muli %parallel_loop3A_43, %parallel_loop3A_44 : i32
      %parallel_loop3A_46 = arith.index_cast %parallel_loop3A_45 : i32 to index
      %parallel_loop3A_47 = tpu.vector_load %arg8[%parallel_loop3A_46] {strides = array<i32>} : memref<3136xi32, #tpu.memory_space<vmem>>, vector<16xi32>,
      %parallel_loop3A_48 = arith.index_cast %parallel_loop3A_45 : i32 to index
      %parallel_loop3A_49 = tpu.vector_load %arg10[%parallel_loop3A_48] {strides = array<i32>} : memref<3136xf32, #tpu.memory_space<vmem>>, vector<16xf32>,
      %parallel_loop3A_50 = tpu.vector_load_idx %arg13[%parallel_loop3A_47] : memref<64xf32, #tpu.memory_space<vmem>>[vector<16xi32>], vector<16xf32>,
      %parallel_loop3A_51 = tpu.vector_load_idx %arg14[%parallel_loop3A_47] : memref<64xf32, #tpu.memory_space<vmem>>[vector<16xi32>], vector<16xf32>,
      %parallel_loop3A_52 = arith.mulf %parallel_loop3A_50, %parallel_loop3A_49 : vector<16xf32>
      %parallel_loop3A_53 = arith.addf %parallel_loop3A_51, %parallel_loop3A_52 : vector<16xf32>
      %parallel_loop3A_54 = arith.index_cast %parallel_loop3A_45 : i32 to index
      %parallel_loop3A_55 = tpu.vector_load %arg12[%parallel_loop3A_54] {strides = array<i32>} : memref<3136xf32, #tpu.memory_space<vmem>>, vector<16xf32>,
      tpu.vector_store %arg12[%parallel_loop3A_54], %parallel_loop3A_53 {strides = array<i32>} : memref<3136xf32, #tpu.memory_space<vmem>>, vector<16xf32>,
    } {sc.loop_unroll_factor = 7 : i64, sc.parallel_access}
    %add3A_35 = arith.constant 3136 : i32
    %add3A_36 = arith.addi %min3A_3, %add3A_35 : i32
    %dma_start3A_37 = tpu.memref_slice %arg6[%add3A_36] : memref<100000xf32, #tpu.memory_space<hbm>> -> memref<3136xf32, #tpu.memory_space<hbm>>
    %dma_start3A_38 = tpu.memref_slice %arg6[%add3A_36] : memref<100000xf32, #tpu.memory_space<hbm>> -> memref<3136xf32, #tpu.memory_space<hbm>>
    tpu.enqueue_dma source(%arg12 : memref<3136xf32, #tpu.memory_space<vmem>>) target(%dma_start3A_38 : memref<3136xf32, #tpu.memory_space<hbm>>) target_semaphore(%arg19 : memref<!tpu.dma_semaphore, #tpu.memory_space<semaphore_mem>>)
    %dma_wait3A_39 = tpu.memref_slice %arg6[%add3A_25] : memref<100000xf32, #tpu.memory_space<hbm>> -> memref<3136xf32, #tpu.memory_space<hbm>>
    %dma_wait3A_40 = tpu.memref_slice %arg6[%add3A_25] : memref<100000xf32, #tpu.memory_space<hbm>> -> memref<3136xf32, #tpu.memory_space<hbm>>
    tpu.wait_dma2 semaphore(%arg18 : memref<!tpu.dma_semaphore, #tpu.memory_space<semaphore_mem>>) src(%arg11 : memref<3136xf32, #tpu.memory_space<vmem>>) dst(%dma_wait3A_40 : memref<3136xf32, #tpu.memory_space<hbm>>)
    %dma_wait3A_41 = tpu.memref_slice %arg6[%add3A_36] : memref<100000xf32, #tpu.memory_space<hbm>> -> memref<3136xf32, #tpu.memory_space<hbm>>
    %dma_wait3A_42 = tpu.memref_slice %arg6[%add3A_36] : memref<100000xf32, #tpu.memory_space<hbm>> -> memref<3136xf32, #tpu.memory_space<hbm>>
    tpu.wait_dma2 semaphore(%arg19 : memref<!tpu.dma_semaphore, #tpu.memory_space<semaphore_mem>>) src(%arg12 : memref<3136xf32, #tpu.memory_space<vmem>>) dst(%dma_wait3A_42 : memref<3136xf32, #tpu.memory_space<hbm>>)
    return
  }
}

</mosaic_0001>

<sc_bundles>
// kernel: kernel.3.cloned.1.call-start
scs
__scs_entry_jumppad:
0x0: {  	(pc) =	sbr.rel $0x88, $3  }
0x1: {  	(tag) =	ssettag $0x0;
	lr =	simm.s32 $0x1  }
0x2: {  	[smem:$0x3F9D] =	sst lr;
	_ =	strace $0xD0000000  }
0x3: {  	_ = 	snop  }
0x4: {  	_ = 	snop  }
0x5: {  	_ = 	snop  }
0x6: {  	_ = 	snop  }
0x7: {  	_ = 	snop  }
__scs_overlays_trampoline_lowered:
0x8: {  	[smem:$0x3FAC] =	sst s0  }
0x9: {  	[smem:$0x3FAD] =	sst s1  }
0xa: {  	[smem:$0x3FAE] =	sst s2  }
0xb: {  	[smem:$0x3FAF] =	sst s3  }
0xc: {  	[smem:$0x3FB0] =	sst s4  }
0xd: {  	[smem:$0x3FB1] =	sst s5  }
0xe: {  	[smem:$0x3FB2] =	sst s6  }
0xf: {  	[smem:$0x3FB3] =	sst s7  }
0x10: {  	[smem:$0x3FB4] =	sst s8  }
0x11: {  	[smem:$0x3FB5] =	sst s9;
	s0 =	simm.s32 @!p0 $0x0  }
0x12: {  	s1 =	sld [smem:$0x3F9B];
	s0 =	simm.s32 @p0 $0x1  }
0x13: {  	[smem:$0x3FB6] =	sst s0;
	s0 =	simm.s32 @!p1 $0x0  }
0x14: {  	s2 =	sld [smem:$0x3F9A];
	s0 =	simm.s32 @p1 $0x1  }
0x15: {  	[smem:$0x3FB7] =	sst s0;
	s0 =	simm.s32 @!p2 $0x0  }
0x16: {  	s3 =	sld [smem:$0x3FDB];
	s0 =	simm.s32 @p2 $0x1  }
0x17: {  	s4 =	simm.s32 $0x1BF5;
	[smem:$0x3FB9] =	sst s0  }
0x18: {  	s0 =	sld [smem:$0x3F9C];
	_ =	swait.ge [sflag:s4], $0x0  }
0x19: {  	s7 =	sld [smem:$0x3F9D]  }
0x1a: {  	s8 =	sadd.s32 $0xFFFFE003, lr  }
0x1b: {  	s9 =	sadd.s32 $0xFFFFFEF7, lr;
	s5 =	simm.s32 $0xFFFFFFFF;
	p2 =	slt.u32 s8, $0xFFFFF086  }
0x1c: {  	p1 =	slt.u32 s9, $0xF7A;
	s5 =	simm.s32 @!p2 $0x0  }
0x1d: {  	s5 =	simm.s32 @p1 $0x1;
	p0 =	seq.s32 s7, s2  }
0x1e: {  	s7 =	smul.u32 @!p0 $0xF7A, s2;
	p2 =	seq.s32 @!p0 s5, $0x0  }
0x1f: {  	s9 =	smul.u32 $0xF7A, s1;
	s8 =	simm.s32 @!p0 $0x1BF5;
	p2 =	por !p2, p0  }
0x20: {  	[sflag:s8] =	ssyncset.s32 @!p0 $0xFFFFF086;
	s6 =	sadd.s32 @!p0 s3, s7;
	s7 =	simm.s32 @!p0 $0x108  }
0x21: {  	s3 =	sadd.s32 s3, s9;
	s6 =	sadd.s32 @!p0 $0x88, s6;
	s7 =	simm.s32 @p2 $0x1082  }
0x22: {  	[simem:s7], [sflag:s8] =	dma.local @!p0 [hbm:s6], $0xF7A  }
0x23: {  	s9 =	sor.u32 $0xD0000000, s2;
	s6 =	simm.s32 $0x108;
	_ =	swait.ge @!p0 [sflag:s8], $0x0  }
0x24: {  	s3 =	sadd.s32 $0x88, s3;
	s6 =	simm.s32 @!p1 $0x1082;
	[sflag:s4] =	ssyncset.s32 $0xFFFFF086  }
0x25: {  	[simem:s6], [sflag:s4] =	dma.local [hbm:s3], $0xF7A  }
0x26: {  	[smem:$0x3F9D] =	sst s1;
	(tag) =	ssettag s2;
	_ =	strace s9  }
0x27: {  	s1 =	sld [smem:$0x3FAD]  }
0x28: {  	s2 =	sld [smem:$0x3FAE]  }
0x29: {  	s4 =	sld [smem:$0x3FB0]  }
0x2a: {  	p0 =	seq.s32 s5, $0x0;
	s5 =	sld [smem:$0x3FB1]  }
0x2b: {  	s6 =	sld [smem:$0x3FB2]  }
0x2c: {  	s7 =	sld [smem:$0x3FB3]  }
0x2d: {  	s3 =	simm.s32 $0x108;
	s8 =	sld [smem:$0x3FB4]  }
0x2e: {  	s3 =	simm.s32 @!p0 $0x1082;
	s9 =	sld [smem:$0x3FB5]  }
0x2f: {  	lr =	sadd.s32 s0, s3;
	s0 =	sld [smem:$0x3FAC]  }
0x30: {  	s3 =	sld [smem:$0x3FAF]  }
0x31: {  	[smem:$0x3FB8] =	sst s10  }
0x32: {  	s10 =	sld [smem:$0x3FB6];
	_ =	sdelay $0x3  }
0x33: {  	p0 =	seq.s32 s10, $0x1;
	s10 =	sld [smem:$0x3FB8];
	_ =	sdelay $0x3  }
0x34: {  	[smem:$0x3FB8] =	sst s10  }
0x35: {  	s10 =	sld [smem:$0x3FB7];
	_ =	sdelay $0x3  }
0x36: {  	p1 =	seq.s32 s10, $0x1;
	s10 =	sld [smem:$0x3FB8];
	_ =	sdelay $0x3  }
0x37: {  	[smem:$0x3FB8] =	sst s10  }
0x38: {  	s10 =	sld [smem:$0x3FB9]  }
0x39: {  	_ = 	snop;
	(pc) =	sbr.ind lr, $3  }
0x3a: {  	_ = 	snop  }
0x3b: {  	_ = 	snop  }
0x3c: {  	p2 =	seq.s32 s10, $0x1;
	s10 =	sld [smem:$0x3FB8]  }
0x3d: {  	_ =	shalt  }
0x3e: {  	_ =	shalt  }
0x3f: {  	_ =	shalt  }
0x40: {  	_ =	shalt  }
0x41: {  	_ =	shalt  }
0x42: {  	_ =	shalt  }
0x43: {  	_ =	shalt  }
0x44: {  	_ =	shalt  }
0x45: {  	_ =	shalt  }
0x46: {  	_ =	shalt  }
0x47: {  	_ =	shalt  }
0x48: {  	_ =	shalt  }
0x49: {  	_ =	shalt  }
0x4a: {  	_ =	shalt  }
0x4b: {  	_ =	shalt  }
0x4c: {  	_ =	shalt  }
0x4d: {  	_ =	shalt  }
0x4e: {  	_ =	shalt  }
0x4f: {  	_ =	shalt  }
0x50: {  	_ =	shalt  }
0x51: {  	_ =	shalt  }
0x52: {  	_ =	shalt  }
0x53: {  	_ =	shalt  }
0x54: {  	_ =	shalt  }
0x55: {  	_ =	shalt  }
0x56: {  	_ =	shalt  }
0x57: {  	_ =	shalt  }
0x58: {  	_ =	shalt  }
0x59: {  	_ =	shalt  }
0x5a: {  	_ =	shalt  }
0x5b: {  	_ =	shalt  }
0x5c: {  	_ =	shalt  }
0x5d: {  	_ =	shalt  }
0x5e: {  	_ =	shalt  }
0x5f: {  	_ =	shalt  }
0x60: {  	_ =	shalt  }
0x61: {  	_ =	shalt  }
0x62: {  	_ =	shalt  }
0x63: {  	_ =	shalt  }
0x64: {  	_ =	shalt  }
0x65: {  	_ =	shalt  }
0x66: {  	_ =	shalt  }
0x67: {  	_ =	shalt  }
0x68: {  	_ =	shalt  }
0x69: {  	_ =	shalt  }
0x6a: {  	_ =	shalt  }
0x6b: {  	_ =	shalt  }
0x6c: {  	_ =	shalt  }
0x6d: {  	_ =	shalt  }
0x6e: {  	_ =	shalt  }
0x6f: {  	_ =	shalt  }
0x70: {  	_ =	shalt  }
0x71: {  	_ =	shalt  }
0x72: {  	_ =	shalt  }
0x73: {  	_ =	shalt  }
0x74: {  	_ =	shalt  }
0x75: {  	_ =	shalt  }
0x76: {  	_ =	shalt  }
0x77: {  	_ =	shalt  }
0x78: {  	_ =	shalt  }
0x79: {  	_ =	shalt  }
0x7a: {  	_ =	shalt  }
0x7b: {  	_ =	shalt  }
0x7c: {  	_ =	shalt  }
0x7d: {  	_ =	shalt  }
0x7e: {  	_ =	shalt  }
0x7f: {  	_ =	shalt  }
0x80: {  	_ =	shalt  }
0x81: {  	_ =	shalt  }
0x82: {  	_ =	shalt  }
0x83: {  	_ =	shalt  }
0x84: {  	_ =	shalt  }
0x85: {  	_ =	shalt  }
0x86: {  	_ =	shalt  }
0x87: {  	_ =	shalt  }
.Lfunc_end0:
.L_simem_size_0:
called_computation_lowered:
.L_overlay_start_0:
0x88: {  	s0 =	sld [smem:$0x3FD9]  }
0x89: {  	s1 =	sld [smem:$0x3FFE];
	_ =	sdelay $0x3  }
0x8a: {  	s0 =	sadd.s32 s1, s0  }
0x8b: {  	[smem:$0x3FC4] =	sst s0  }
0x8c: {  	_ = 	snop  }
0x8d: {  	s0 =	sld [smem:$0x3FC8]  }
0x8e: {  	s16 =	sld [smem:$0x3FC7]  }
0x8f: {  	s2 =	sld [smem:$0x3FC6];
	(tm) =	ssettm $0x1  }
0x90: {  	s3 =	sld [smem:$0x3FFB];
	_ =	sdelay $0x3  }
0x91: {  	_ =	strace s3  }
0x92: {  	s3 =	sld [smem:$0x3FFC];
	_ =	sdelay $0x3  }
0x93: {  	_ =	strace s3  }
0x94: {  	s3 =	sld [smem:$0x3FFD];
	_ =	sdelay $0x3  }
0x95: {  	_ =	strace s3  }
0x96: {  	_ =	strace $0x8FFFFFFF  }
0x97: {  	s17 =	sld [smem:$0x3FDB];
	_ =	sdelay $0x1  }
0x98: {  	s4 =	simm.s32 $_scs_section_size  }
0x99: {  	s5 =	simm.s32 $_size__tile_overlayer_lowered;
	s6 =	simm.s32 $_tile_overlayer_lowered  }
0x9a: {  	s20 =	simm.s32 $0x1BFF;
	s19 =	sshll.u32 s6, $0x1;
	s3 =	sadd.s32 s4, s17  }
0x9b: {  	s7 =	simm.s32 $0x0;
	s18 =	sshll.u32 s5, $0x1;
	s5 =	sadd.s32 s19, s3  }
0x9c: {  	[timem:s7], [sflag:s20] =	dma.local [hbm:s5], s18  }
0x9d: {  	_ =	swait.ge [sflag:s20], s18  }
0x9e: {  	s4 =	ssub.s32 $0x0, s18;
	[sflag:s20] =	ssyncset.done $0x0  }
0x9f: {  	[sflag:s20] =	ssyncadd.s32 s4;
	_ =	sdelay $0x1  }
0xa0: {  	s21 =	simm.s32 $0x1B8B  }
0xa1: {  	_ =	swait.ge [sflag:s21], $0x1  }
0xa2: {  	[sflag:s21] =	ssyncset.done $0x0  }
0xa3: {  	s23 =	simm.s32 $0x1B8E;
	s22 =	sld [smem:$0x3FFE];
	[sflag:s21] =	ssyncadd.s32 $0xFFFFFFFF  }
0xa4: {  	s24 =	simm.s32 $execute0_lowered;
	[smem:$0x3FD2] =	sst s23  }
0xa5: {  	s5 =	sshll.u32 s24, $0x1;
	_ =	strace $0x80000046;
	[dreg:$0x1] =	wrdreg $0xFFFFFFFF  }
0xa6: {  	s25 =	simm.s32 $_size_execute0_lowered;
	s3 =	sadd.s32 s3, s5;
	[dreg:$0x0] =	wrdreg $0x0  }
0xa7: {  	s5 =	sshll.u32 s25, $0x1;
	[dreg:$0x2] =	wrdreg s3  }
0xa8: {  	[dreg:$0x3] =	wrdreg s5  }
0xa9: {  	[dreg:$0x4] =	wrdreg $0xC0  }
0xaa: {  	_ =	task [dreg:s7], $0x5FFFF  }
0xab: {  	[dreg:$0x1] =	wrdreg $0xFFFFFFFF  }
0xac: {  	[dreg:$0x0] =	wrdreg $0x60  }
0xad: {  	[dreg:$0x2] =	wrdreg s22  }
0xae: {  	[dreg:$0x3] =	wrdreg s0  }
0xaf: {  	[dreg:$0x4] =	wrdreg s16  }
0xb0: {  	[dreg:$0x5] =	wrdreg s2  }
0xb1: {  	[dreg:$0x6] =	wrdreg $0x9  }
0xb2: {  	_ =	task.clear_ibuf [dreg:s7], $0x7FFFF;
	_ =	strace $0x90000046  }
0xb3: {  	s26 =	simm.s32 $0x9;
	_ =	strace $0x80000048  }
0xb4: {  	_ =	swait.ge [sflag:s26], $0x1  }
0xb5: {  	[sflag:s26] =	ssyncadd.s32 $0xFFFFFFFF  }
0xb6: {  	_ =	strace $0x90000048  }
0xb7: {  	_ =	sfence  }
0xb8: {  	s28 =	sld [smem:$0x0];
	_ =	sdelay $0x1  }
0xb9: {  	s29 =	srdreg.scid  }
0xba: {  	s30 =	sshll.u32 s29, $0xD;
	s31 =	sshrl.u32 s29, $0x2  }
0xbb: {  	s1 =	sand.u32 $0x1, s29;
	s2 =	sand.u32 $0x4000, s30;
	s0 =	sadd.s32 s31, s28  }
0xbc: {  	s1 =	sor.u32 s2, s1;
	s0 =	sshll.u32 s0, $0x11  }
0xbd: {  	s0 =	sor.u32 s0, s1  }
0xbe: {  	s0 =	sadd.s32 $0x8F2B, s0  }
0xbf: {  	[sflag:s0] =	ssyncadd.remote.s32 $0x1  }
0xc0: {  	_ =	sfence.sel $0xFFFF  }
0xc1: {  	[dreg:$0x0] =	wrdreg $0xFFFFFFFF;
	(pc) =	sbr.abs _section_cstart, $3  }
0xc2: {  	[dreg:$0x1] =	wrdreg $0xFFFFFFFF  }
0xc3: {  	_ =	task.clear_ibuf [dreg:s7], $0x2FFFF;
	_ =	strace $0x9FFFFFFF  }
0xc4: {  	(tm) =	ssettm $0x7FFFFFFF  }
0xc5: {  	_ =	shalt  }
tec
execute0_lowered:
.L_overlay_start_1:
0x0: {  	(tag) =	ssettag $0x1  }
0x1: {  	s3 =	rddreg [dreg:$0x0]  }
0x2: {  	s7 =	rddreg [dreg:$0x1]  }
0x3: {  	s2 =	rddreg [dreg:$0x2]  }
0x4: {  	s8 =	rddreg [dreg:$0x3];
	s1 =	stileid.u32  }
0x5: {  	s0 =	rddreg [dreg:$0x4];
	s9 =	simm.s32 $0x0;
	s4 =	smul.u32 $0x1880, s1  }
0x6: {  	[smem:$0x7FF] =	sst s9  }
0x7: {  	s5 =	simm.s32 $0x4B00;
	_ =	strace $0x80000047;
	s4 =	smin.u32 s4, $0x16E20  }
0x8: {  	[tilespmem:s5], [sflag:$0x1] =	stream.linear.gather [hbm4b:s2+s9], $0x80, $0x38;
	[tilespmem:$0x4C00] =	vst v63  }
0x9: {  	s6 =	simm.s32 $0x4B80;
	s4 =	sshrl.u32 s4, $0x3  }
0xa: {  	[tilespmem:s6], [sflag:$0x1] =	stream.linear.gather [hbm4b:s8+s9], $0x80, $0x38;
	[tilespmem:$0x4C00] =	vst v63  }
0xb: {  	s23 =	sadd.s32 s7, s4  }
0xc: {  	[tilespmem:s9], [sflag:$0x2] =	stream.linear.gather [hbm4b:s23+s9], $0xC40, $0x38;
	[tilespmem:$0x4C00] =	vst v63  }
0xd: {  	s10 =	simm.s32 $0x1900;
	s24 =	sadd.s32 s3, s4;
	s2 =	sadd.s32 $0x188, s4  }
0xe: {  	[tilespmem:s10], [sflag:$0x2] =	stream.linear.gather [hbm4b:s24+s9], $0xC40, $0x38;
	[tilespmem:$0x4C00] =	vst v63  }
0xf: {  	s25 =	simm.s32 $0xC80;
	s7 =	sadd.s32 s7, s2  }
0x10: {  	[tilespmem:s25], [sflag:$0x3] =	stream.linear.gather [hbm4b:s7+s9], $0xC40, $0x38;
	[tilespmem:$0x4C00] =	vst v63  }
0x11: {  	s28 =	simm.s32 $0x2580;
	s29 =	simm.s32 $0x1;
	s26 =	sadd.s32 s3, s2  }
0x12: {  	[tilespmem:s28], [sflag:$0x3] =	stream.linear.gather [hbm4b:s26+s9], $0xC40, $0x38;
	[tilespmem:$0x4C00] =	vst v63  }
0x13: {  	_ =	swait.ge [sflag:s29], $0x80  }
0x14: {  	[sflag:s29] =	ssyncset.done $0x0  }
0x15: {  	[sflag:s29] =	ssyncadd.s32 $0xFFFFFF80  }
0x16: {  	_ =	swait.ge [sflag:s29], $0x80  }
0x17: {  	[sflag:s29] =	ssyncset.done $0x0  }
0x18: {  	s30 =	simm.s32 $0x2;
	[sflag:s29] =	ssyncadd.s32 $0xFFFFFF80  }
0x19: {  	_ =	swait.ge [sflag:s30], $0xC40  }
0x1a: {  	[sflag:s30] =	ssyncset.done $0x0  }
0x1b: {  	[sflag:s30] =	ssyncadd.s32 $0xFFFFF3C0  }
0x1c: {  	_ =	swait.ge [sflag:s30], $0xC40  }
0x1d: {  	[sflag:s30] =	ssyncset.done $0x0  }
0x1e: {  	s31 =	simm.s32 $0x30;
	[sflag:s30] =	ssyncadd.s32 $0xFFFFF3C0  }
0x1f: {  	v1 =	vld [tilespmem:s31+$0x30]  }
0x20: {  	v2 =	vld [tilespmem:s31+$0xFFFFFFE0]  }
0x21: {  	v7 =	vld [tilespmem:s31+$0xFFFFFFF0]  }
0x22: {  	v9 =	vld [tilespmem:s31+$0x0]  }
0x23: {  	v11 =	vld [tilespmem:s31+$0x10]  }
0x24: {  	v3 =	vld [tilespmem:s31+$0xFFFFFFD0]  }
0x25: {  	s7 =	simm.s32 $0x1930;
	v0 =	vld [tilespmem:s31+$0x20]  }
0x26: {  	v5 =	vld [tilespmem:s7+$0x30]  }
0x27: {  	v15 =	vld [tilespmem:s7+$0xFFFFFFD0]  }
0x28: {  	v16 =	vld [tilespmem:s7+$0xFFFFFFE0]  }
0x29: {  	v17 =	vld [tilespmem:s7+$0xFFFFFFF0]  }
0x2a: {  	v18 =	vld [tilespmem:s7+$0x0]  }
0x2b: {  	v19 =	vld [tilespmem:s7+$0x10]  }
0x2c: {  	v20 =	vld [tilespmem:s7+$0x20]  }
0x2d: {  	v4 =	vld.idx.msk [tilespmem:v1+s5+$0x0], $0xffff  }
0x2e: {  	v1 =	vld.idx.msk [tilespmem:v1+s6+$0x0], $0xffff  }
0x2f: {  	v6 =	vld.idx.msk [tilespmem:v2+s5+$0x0], $0xffff  }
0x30: {  	v8 =	vld.idx.msk [tilespmem:v7+s5+$0x0], $0xffff  }
0x31: {  	v10 =	vld.idx.msk [tilespmem:v9+s5+$0x0], $0xffff  }
0x32: {  	v12 =	vld.idx.msk [tilespmem:v3+s5+$0x0], $0xffff  }
0x33: {  	v13 =	vld.idx.msk [tilespmem:v11+s5+$0x0], $0xffff  }
0x34: {  	v14 =	vld.idx.msk [tilespmem:v0+s5+$0x0], $0xffff  }
0x35: {  	v7 =	vld.idx.msk [tilespmem:v7+s6+$0x0], $0xffff;
	v5 =	vmul.f32 v4, v5  }
0x36: {  	v4 =	vld.idx.msk [tilespmem:v3+s6+$0x0], $0xffff  }
0x37: {  	v3 =	vld.idx.msk [tilespmem:v2+s6+$0x0], $0xffff;
	v6 =	vmul.f32 v6, v16;
	v8 =	vmul.f32 v8, v17;
	v1 =	vadd.f32 v5, v1  }
0x38: {  	s8 =	simm.s32 $0x3230;
	v2 =	vmul.f32 v10, v18;
	v10 =	vld.idx.msk [tilespmem:v9+s6+$0x0], $0xffff;
	v9 =	vmul.f32 v13, v19  }
0x39: {  	s3 =	sadd.s32 $0x3200, s3;
	s10 =	simm.s32 $0xA0;
	s9 =	simm.s32 $0x0;
	v11 =	vld.idx.msk [tilespmem:v11+s6+$0x0], $0xffff;
	v5 =	vmul.f32 v12, v15;
	[tilespmem:s8+$0x30] =	vst v1;
	v1 =	vmul.f32 v14, v20  }
.LBB2_1:
0x3a: {  	v12 =	vld [tilespmem:s10+$0x30];
	s9 =	sadd.s32 $0x7, s9  }
0x3b: {  	v4 =	vadd.f32 v5, v4;
	v13 =	vld [tilespmem:s10+$0xFFFFFFE0];
	p0 =	slt.u32 s9, $0xBD  }
0x3c: {  	v3 =	vadd.f32 v6, v3;
	v14 =	vld [tilespmem:s10+$0xFFFFFFF0]  }
0x3d: {  	v15 =	vld [tilespmem:s10+$0x0];
	[tilespmem:s8+$0xFFFFFFD0] =	vst v4;
	v4 =	vadd.f32 v8, v7  }
0x3e: {  	v2 =	vadd.f32 v2, v10;
	v16 =	vld [tilespmem:s10+$0x10];
	[tilespmem:s8+$0xFFFFFFE0] =	vst v3  }
0x3f: {  	v3 =	vld [tilespmem:s10+$0x20];
	[tilespmem:s8+$0xFFFFFFF0] =	vst v4;
	v4 =	vadd.f32 v9, v11  }
0x40: {  	v6 =	vld [tilespmem:s10+$0xFFFFFFD0];
	[tilespmem:s8+$0x0] =	vst v2  }
0x41: {  	[tilespmem:s8+$0x10] =	vst v4;
	v2 =	vld.idx.msk [tilespmem:v0+s6+$0x0], $0xffff  }
0x42: {  	s7 =	sadd.s32 $0x70, s7;
	v4 =	vld.idx.msk [tilespmem:v12+s5+$0x0], $0xffff  }
0x43: {  	v5 =	vld [tilespmem:s7+$0x30]  }
0x44: {  	v7 =	vld.idx.msk [tilespmem:v12+s6+$0x0], $0xffff;
	v0 =	vmov v3  }
0x45: {  	v3 =	vld.idx.msk [tilespmem:v13+s5+$0x0], $0xffff  }
0x46: {  	v8 =	vld.idx.msk [tilespmem:v14+s5+$0x0], $0xffff  }
0x47: {  	v1 =	vadd.f32 v1, v2;
	v9 =	vld.idx.msk [tilespmem:v15+s5+$0x0], $0xffff  }
0x48: {  	v2 =	vld.idx.msk [tilespmem:v6+s5+$0x0], $0xffff;
	v4 =	vmul.f32 v4, v5  }
0x49: {  	v11 =	vld.idx.msk [tilespmem:v16+s5+$0x0], $0xffff;
	[tilespmem:s8+$0x20] =	vst v1  }
0x4a: {  	v1 =	vld.idx.msk [tilespmem:v0+s5+$0x0], $0xffff;
	v4 =	vadd.f32 v4, v7  }
0x4b: {  	s8 =	sadd.s32 $0x70, s8;
	v5 =	vld [tilespmem:s7+$0xFFFFFFD0]  }
0x4c: {  	v7 =	vld [tilespmem:s7+$0xFFFFFFE0];
	[tilespmem:s8+$0x30] =	vst v4  }
0x4d: {  	v10 =	vld [tilespmem:s7+$0xFFFFFFF0]  }
0x4e: {  	v12 =	vld [tilespmem:s7+$0x0]  }
0x4f: {  	v17 =	vld [tilespmem:s7+$0x10]  }
0x50: {  	v5 =	vmul.f32 v2, v5;
	v18 =	vld [tilespmem:s7+$0x20]  }
.Ltmp0:
0x51: {  	v4 =	vld.idx.msk [tilespmem:v6+s6+$0x0], $0xffff;
	v6 =	vmul.f32 v3, v7;
	(pc) =	sbr.rel @p0 .LBB2_1-.Ltmp0, $4  }
0x52: {  	v3 =	vld.idx.msk [tilespmem:v13+s6+$0x0], $0xffff;
	v8 =	vmul.f32 v8, v10  }
0x53: {  	v7 =	vld.idx.msk [tilespmem:v14+s6+$0x0], $0xffff;
	v2 =	vmul.f32 v9, v12  }
0x54: {  	v10 =	vld.idx.msk [tilespmem:v15+s6+$0x0], $0xffff;
	v9 =	vmul.f32 v11, v17  }
0x55: {  	s10 =	sadd.s32 $0x70, s10;
	v11 =	vld.idx.msk [tilespmem:v16+s6+$0x0], $0xffff;
	v1 =	vmul.f32 v1, v18  }
0x56: {  	_ =	sdelay $0x3  }
0x57: {  	v4 =	vadd.f32 v5, v4;
	v0 =	vld.idx.msk [tilespmem:v0+s6+$0x0], $0xffff  }
0x58: {  	v3 =	vadd.f32 v6, v3  }
0x59: {  	[tilespmem:s8+$0xFFFFFFD0] =	vst v4;
	v4 =	vadd.f32 v8, v7  }
0x5a: {  	[tilespmem:s8+$0xFFFFFFE0] =	vst v3;
	v2 =	vadd.f32 v2, v10  }
0x5b: {  	[tilespmem:s8+$0xFFFFFFF0] =	vst v4;
	v3 =	vadd.f32 v9, v11  }
0x5c: {  	[tilespmem:s8+$0x0] =	vst v2;
	v0 =	vadd.f32 v1, v0  }
0x5d: {  	s4 =	sadd.s32 s3, s4;
	[tilespmem:s8+$0x10] =	vst v3  }
0x5e: {  	s5 =	simm.s32 $0x0;
	s29 =	simm.s32 $0x3200;
	s30 =	simm.s32 $0x3;
	[tilespmem:s8+$0x20] =	vst v0  }
0x5f: {  	[hbm4b:s4+s5] =	stream.linear.scatter [tilespmem:s29], [sflag:$0x4], $0xC40, $0x38;
	[tilespmem:$0x4C00] =	vst v63  }
0x60: {  	_ =	swait.ge [sflag:s30], $0xC40  }
0x61: {  	[sflag:s30] =	ssyncset.done $0x0  }
0x62: {  	[sflag:s30] =	ssyncadd.s32 $0xFFFFF3C0  }
0x63: {  	_ =	swait.ge [sflag:s30], $0xC40  }
0x64: {  	[sflag:s30] =	ssyncset.done $0x0  }
0x65: {  	s31 =	simm.s32 $0xCB0;
	[sflag:s30] =	ssyncadd.s32 $0xFFFFF3C0  }
0x66: {  	v1 =	vld [tilespmem:s31+$0x30]  }
0x67: {  	v2 =	vld [tilespmem:s31+$0xFFFFFFE0]  }
0x68: {  	v4 =	vld [tilespmem:s31+$0xFFFFFFF0]  }
0x69: {  	v10 =	vld [tilespmem:s31+$0x0]  }
0x6a: {  	v11 =	vld [tilespmem:s31+$0x10]  }
0x6b: {  	v3 =	vld [tilespmem:s31+$0xFFFFFFD0]  }
0x6c: {  	s6 =	simm.s32 $0x25B0;
	v0 =	vld [tilespmem:s31+$0x20]  }
0x6d: {  	v6 =	vld [tilespmem:s6+$0x30]  }
0x6e: {  	v15 =	vld [tilespmem:s6+$0xFFFFFFD0]  }
0x6f: {  	v16 =	vld [tilespmem:s6+$0xFFFFFFE0]  }
0x70: {  	v17 =	vld [tilespmem:s6+$0xFFFFFFF0]  }
0x71: {  	v18 =	vld [tilespmem:s6+$0x0]  }
0x72: {  	v19 =	vld [tilespmem:s6+$0x10]  }
0x73: {  	s4 =	simm.s32 $0x4B00;
	v20 =	vld [tilespmem:s6+$0x20]  }
0x74: {  	s5 =	simm.s32 $0x4B80;
	v5 =	vld.idx.msk [tilespmem:v1+s4+$0x0], $0xffff  }
0x75: {  	v1 =	vld.idx.msk [tilespmem:v1+s5+$0x0], $0xffff  }
0x76: {  	v7 =	vld.idx.msk [tilespmem:v2+s4+$0x0], $0xffff  }
0x77: {  	v9 =	vld.idx.msk [tilespmem:v4+s4+$0x0], $0xffff  }
0x78: {  	v12 =	vld.idx.msk [tilespmem:v10+s4+$0x0], $0xffff  }
0x79: {  	v8 =	vld.idx.msk [tilespmem:v3+s4+$0x0], $0xffff  }
0x7a: {  	v13 =	vld.idx.msk [tilespmem:v11+s4+$0x0], $0xffff  }
0x7b: {  	v14 =	vld.idx.msk [tilespmem:v0+s4+$0x0], $0xffff  }
0x7c: {  	v10 =	vld.idx.msk [tilespmem:v10+s5+$0x0], $0xffff;
	v6 =	vmul.f32 v5, v6  }
0x7d: {  	v5 =	vld.idx.msk [tilespmem:v3+s5+$0x0], $0xffff  }
0x7e: {  	v3 =	vld.idx.msk [tilespmem:v2+s5+$0x0], $0xffff;
	v7 =	vmul.f32 v7, v16;
	v9 =	vmul.f32 v9, v17;
	v1 =	vadd.f32 v6, v1  }
0x7f: {  	s7 =	simm.s32 $0x3EB0;
	v2 =	vmul.f32 v12, v18;
	v6 =	vmul.f32 v8, v15;
	v8 =	vld.idx.msk [tilespmem:v4+s5+$0x0], $0xffff  }
0x80: {  	s9 =	simm.s32 $0xD20;
	s8 =	simm.s32 $0x0;
	v11 =	vld.idx.msk [tilespmem:v11+s5+$0x0], $0xffff;
	v4 =	vmul.f32 v13, v19;
	[tilespmem:s7+$0x30] =	vst v1;
	v1 =	vmul.f32 v14, v20  }
.LBB2_3:
0x81: {  	v12 =	vld [tilespmem:s9+$0x30];
	s8 =	sadd.s32 $0x7, s8  }
0x82: {  	v5 =	vadd.f32 v6, v5;
	v13 =	vld [tilespmem:s9+$0xFFFFFFE0];
	p0 =	slt.u32 s8, $0xBD  }
0x83: {  	v3 =	vadd.f32 v7, v3;
	v14 =	vld [tilespmem:s9+$0xFFFFFFF0]  }
0x84: {  	v15 =	vld [tilespmem:s9+$0x0];
	[tilespmem:s7+$0xFFFFFFD0] =	vst v5;
	v5 =	vadd.f32 v9, v8  }
0x85: {  	v2 =	vadd.f32 v2, v10;
	v16 =	vld [tilespmem:s9+$0x10];
	[tilespmem:s7+$0xFFFFFFE0] =	vst v3  }
0x86: {  	v4 =	vadd.f32 v4, v11;
	v3 =	vld [tilespmem:s9+$0x20];
	[tilespmem:s7+$0xFFFFFFF0] =	vst v5  }
0x87: {  	v5 =	vld [tilespmem:s9+$0xFFFFFFD0];
	[tilespmem:s7+$0x0] =	vst v2  }
0x88: {  	[tilespmem:s7+$0x10] =	vst v4;
	v2 =	vld.idx.msk [tilespmem:v0+s5+$0x0], $0xffff  }
0x89: {  	s6 =	sadd.s32 $0x70, s6;
	v4 =	vld.idx.msk [tilespmem:v12+s4+$0x0], $0xffff  }
0x8a: {  	v6 =	vld [tilespmem:s6+$0x30]  }
0x8b: {  	v7 =	vld.idx.msk [tilespmem:v12+s5+$0x0], $0xffff;
	v0 =	vmov v3  }
0x8c: {  	v3 =	vld.idx.msk [tilespmem:v13+s4+$0x0], $0xffff  }
0x8d: {  	v8 =	vld.idx.msk [tilespmem:v14+s4+$0x0], $0xffff  }
0x8e: {  	v1 =	vadd.f32 v1, v2;
	v10 =	vld.idx.msk [tilespmem:v15+s4+$0x0], $0xffff  }
0x8f: {  	v2 =	vld.idx.msk [tilespmem:v5+s4+$0x0], $0xffff;
	v4 =	vmul.f32 v4, v6  }
0x90: {  	v11 =	vld.idx.msk [tilespmem:v16+s4+$0x0], $0xffff;
	[tilespmem:s7+$0x20] =	vst v1  }
0x91: {  	v1 =	vld.idx.msk [tilespmem:v0+s4+$0x0], $0xffff;
	v4 =	vadd.f32 v4, v7  }
0x92: {  	s7 =	sadd.s32 $0x70, s7;
	v6 =	vld [tilespmem:s6+$0xFFFFFFD0]  }
0x93: {  	v7 =	vld [tilespmem:s6+$0xFFFFFFE0];
	[tilespmem:s7+$0x30] =	vst v4  }
0x94: {  	v4 =	vld [tilespmem:s6+$0xFFFFFFF0]  }
0x95: {  	v12 =	vld [tilespmem:s6+$0x0]  }
0x96: {  	v17 =	vld [tilespmem:s6+$0x10]  }
0x97: {  	v6 =	vmul.f32 v2, v6;
	v18 =	vld [tilespmem:s6+$0x20]  }
.Ltmp1:
0x98: {  	v5 =	vld.idx.msk [tilespmem:v5+s5+$0x0], $0xffff;
	v7 =	vmul.f32 v3, v7;
	(pc) =	sbr.rel @p0 .LBB2_3-.Ltmp1, $4  }
0x99: {  	v3 =	vld.idx.msk [tilespmem:v13+s5+$0x0], $0xffff;
	v9 =	vmul.f32 v8, v4  }
0x9a: {  	v8 =	vld.idx.msk [tilespmem:v14+s5+$0x0], $0xffff;
	v2 =	vmul.f32 v10, v12  }
0x9b: {  	v10 =	vld.idx.msk [tilespmem:v15+s5+$0x0], $0xffff;
	v4 =	vmul.f32 v11, v17  }
0x9c: {  	s9 =	sadd.s32 $0x70, s9;
	v11 =	vld.idx.msk [tilespmem:v16+s5+$0x0], $0xffff;
	v1 =	vmul.f32 v1, v18  }
0x9d: {  	_ =	sdelay $0x3  }
0x9e: {  	v5 =	vadd.f32 v6, v5;
	v0 =	vld.idx.msk [tilespmem:v0+s5+$0x0], $0xffff  }
0x9f: {  	v3 =	vadd.f32 v7, v3  }
0xa0: {  	[tilespmem:s7+$0xFFFFFFD0] =	vst v5;
	v62 =	vadd.f32 v9, v8  }
0xa1: {  	[tilespmem:s7+$0xFFFFFFE0] =	vst v3;
	v2 =	vadd.f32 v2, v10  }
0xa2: {  	[tilespmem:s7+$0xFFFFFFF0] =	vst v62;
	v63 =	vadd.f32 v4, v11  }
0xa3: {  	[tilespmem:s7+$0x0] =	vst v2;
	v0 =	vadd.f32 v1, v0  }
0xa4: {  	s2 =	sadd.s32 s3, s2;
	[tilespmem:s7+$0x10] =	vst v63  }
0xa5: {  	s29 =	simm.s32 $0x0;
	s4 =	simm.s32 $0x3E80;
	s30 =	simm.s32 $0x4;
	[tilespmem:s7+$0x20] =	vst v0  }
0xa6: {  	[hbm4b:s2+s29] =	stream.linear.scatter [tilespmem:s4], [sflag:$0x5], $0xC40, $0x38;
	[tilespmem:$0x4C00] =	vst v63  }
0xa7: {  	_ =	swait.ge [sflag:s30], $0xC40  }
0xa8: {  	[sflag:s30] =	ssyncset.done $0x0  }
0xa9: {  	s31 =	simm.s32 $0x5;
	[sflag:s30] =	ssyncadd.s32 $0xFFFFF3C0  }
0xaa: {  	_ =	swait.ge [sflag:s31], $0xC40  }
0xab: {  	[sflag:s31] =	ssyncset.done $0x0  }
0xac: {  	[sflag:s31] =	ssyncadd.s32 $0xFFFFF3C0  }
0xad: {  	_ =	sfence.sel $0x180000  }
0xae: {  	[bflag:$0x0] =	sbarrier.arrive $0xFFFF  }
0xaf: {  	p0 =	sne.s32 s1, $0x0;
	_ =	strace $0x90000047  }
0xb0: {  	s0 =	sadd.s32 @!p0 $0x100000, s0;
	[bflag:$0x2] =	sbarrier.arrive $0xFFFF  }
0xb1: {  	[sflag:s0] =	ssyncadd.tile.s32 @!p0 $0x1;
	_ =	shalt  }
.Lfunc_end2:
_tile_overlayer_lowered:
.L_overlay_start_2:
0xb2: {  	(tag) =	ssettag $0x2  }
0xb3: {  	s0 =	rddreg [dreg:$0x0];
	s2 =	stileid.u32  }
0xb4: {  	s1 =	rddreg [dreg:$0x1];
	p0 =	sne.s32 s2, $0x0  }
0xb5: {  	s3 =	rddreg [dreg:$0x2];
	[bflag:$0x3] =	sbarrier.arrive $0xFFFF;
	s2 =	simm.s32 @!p0 $0x1C06  }
0xb6: {  	[timem:s3], [sflag:s2] =	dma.local @!p0 [hbm:s0], s1  }
0xb7: {  	s0 =	simm.s32 @!p0 $0x6  }
0xb8: {  	_ =	swait.ge @!p0 [sflag:s0], s1  }
0xb9: {  	s1 =	ssub.s32 @!p0 $0x0, s1;
	[sflag:s0] =	ssyncset.done @!p0 $0x0  }
0xba: {  	[sflag:s0] =	ssyncadd.s32 @!p0 s1  }
0xbb: {  	[bflag:$0x3] =	sbarrier.arrive $0xFFFF  }
0xbc: {  	_ =	shalt  }

</sc_bundles>
